<compile_context>
chip_gen: v7x
topology: tpu7x:2x2x1
jax: 0.10.2.dev20260603
libtpu: 0.0.44.dev20260713+nightly
codegen_flags: <defaults>
</compile_context>

<pallas_src>
import functools

import jax
import jax.numpy as jnp
from jax import lax
from jax.experimental import pallas as pl
from jax.experimental.pallas import tpu as pltpu
from jax.experimental.pallas import tpu_sc as plsc

NUM_EMB = 1_000_000
D = 64
DW = D // 2
BATCH = 4096
HIST = 50
TOT = BATCH * HIST

NC, NS = 2, 16
NW = NC * NS
BPW = BATCH // NW
GRP_B = 4
GRP_R = GRP_B * HIST
NGRP = BPW // GRP_B
NPAIR = NGRP // 2

_mesh = plsc.VectorSubcoreMesh(core_axis_name="c", subcore_axis_name="s")


@functools.partial(
    pl.kernel,
    mesh=_mesh,
    out_type=jax.ShapeDtypeStruct((TOT, D), jnp.float32),
    scratch_types=[
        pltpu.VMEM((BPW, HIST), jnp.int32),
        pltpu.VMEM((GRP_R, D), jnp.float32),
        pltpu.VMEM((GRP_R, D), jnp.float32),
        pltpu.SemaphoreType.DMA,
        pltpu.SemaphoreType.DMA,
        pltpu.SemaphoreType.DMA,
        pltpu.SemaphoreType.DMA,
    ],
    compiler_params=pltpu.CompilerParams(use_tc_tiling_on_sc=False),
)
def _emb_lookup(table_hbm, x_hbm, out_hbm, idx_v, gba, gbb,
                sga, sgb, swa, swb):
    wid = lax.axis_index("s") * NC + lax.axis_index("c")
    b0 = wid * BPW
    r0 = wid * BPW * HIST

    pltpu.sync_copy(x_hbm.at[pl.ds(b0, BPW)], idx_v)

    def fire_gathers(g, gb, sem):
        for b in range(GRP_B):
            pltpu.async_copy(
                table_hbm.at[idx_v.at[g * GRP_B + b]],
                gb.at[pl.ds(b * HIST, HIST)], sem)

    def drain_gathers(gb, sem):
        for b in range(GRP_B):
            pltpu.make_async_copy(
                table_hbm.at[idx_v.at[0]],
                gb.at[pl.ds(b * HIST, HIST)], sem).wait()

    def fire_write(g, wb, sem):
        pltpu.async_copy(
            wb, out_hbm.at[pl.ds(r0 + g * GRP_R, GRP_R)], sem)

    def wait_write(wb, sem):
        pltpu.make_async_copy(
            wb, out_hbm.at[pl.ds(r0, GRP_R)], sem).wait()

    fire_gathers(0, gba, sga)

    def body(t, _):
        g0 = 2 * t

        @pl.when(t > 0)
        def _():
            wait_write(gbb, swb)
        fire_gathers(g0 + 1, gbb, sgb)
        drain_gathers(gba, sga)
        fire_write(g0, gba, swa)

        @pl.when(t < NPAIR - 1)
        def _():
            wait_write(gba, swa)
            fire_gathers(g0 + 2, gba, sga)
        drain_gathers(gbb, sgb)
        fire_write(g0 + 1, gbb, swb)
        return 0

    lax.fori_loop(0, NPAIR, body, 0)
    wait_write(gba, swa)
    wait_write(gbb, swb)


def kernel(x, weight):
    table_f32 = weight.astype(jnp.float32)
    out_f32 = _emb_lookup(table_f32, x)
    return out_f32.astype(jnp.bfloat16).reshape(BATCH, HIST, D)

# --- scband reference (transcript-rebuilt; emitter-appended) ---
"""Pipeline reference for scband-quantized-embedding-43310450213552 (READ-ONLY COPY).

The authoritative reference and input builder live on the scoring server;
editing this copy changes nothing except your own understanding.
"""

import jax, jax.numpy as jnp
import numpy as np

NUM_EMBEDDINGS = 1000000
EMBEDDING_DIM = 64
BATCH = 4096
HIST_LEN = 50


def setup_inputs(seed: int = 0) -> dict:
    key = jax.random.key(seed)
    k_idx, k_w = jax.random.split(key)
    # indices: int64 spec; jax on CPU defaults to int32 unless x64 enabled, which is fine for lookup semantics
    x = jax.random.randint(k_idx, (BATCH, HIST_LEN), 0, NUM_EMBEDDINGS)
    # weight stored in bf16 per FP8Config.STORAGE_DTYPE, init ~ N(0, 0.02)
    weight = (jax.random.normal(k_w, (NUM_EMBEDDINGS, EMBEDDING_DIM), dtype=jnp.float32) * 0.02).astype(jnp.bfloat16)
    return {"x": x, "weight": weight}


def reference(x, weight):
    # F.embedding(x, weight) -> gather rows of weight by index
    return jnp.take(weight, x, axis=0)

if __name__ == "__main__":
    import jax
    _d = setup_inputs()
    print(jax.jit(kernel)(*tuple(_d.values())))

</pallas_src>

<mosaic_0001>
#map = affine_map<(d0, d1) -> (0, 0)>
module attributes {stable_mosaic.version = 14 : i64} {
  func.func @_emb_lookup(%arg0: i32, %arg1: i32, %arg2: memref<1000000x64xf32, #tpu.memory_space<hbm>>, %arg3: memref<4096x50xi32, #tpu.memory_space<hbm>>, %arg4: memref<204800x64xf32, #tpu.memory_space<hbm>>, %arg5: memref<128x50xi32, #tpu.memory_space<vmem>>, %arg6: memref<200x64xf32, #tpu.memory_space<vmem>>, %arg7: memref<200x64xf32, #tpu.memory_space<vmem>>, %arg8: memref<!tpu.dma_semaphore, #tpu.memory_space<semaphore_mem>>, %arg9: memref<!tpu.dma_semaphore, #tpu.memory_space<semaphore_mem>>, %arg10: memref<!tpu.dma_semaphore, #tpu.memory_space<semaphore_mem>>, %arg11: memref<!tpu.dma_semaphore, #tpu.memory_space<semaphore_mem>>) attributes {dimension_semantics = [#tpu.dimension_semantics<core_parallel>, #tpu.dimension_semantics<subcore_parallel>], iteration_bounds = array<i64: 2, 16>, scalar_prefetch = 0 : i64, scratch_operands = 7 : i64, tpu.core_type = #tpu.core_type<sc_vector_subcore>, window_params = [{transform_indices = #map}, {transform_indices = #map}, {transform_indices = #map}]} {
    %mul3A = arith.constant 2 : i32
    %mul3A_0 = arith.muli %arg1, %mul3A : i32
    %add3A = arith.addi %mul3A_0, %arg0 : i32
    %mul3A_1 = arith.constant 128 : i32
    %mul3A_2 = arith.muli %add3A, %mul3A_1 : i32
    %mul3A_3 = arith.constant 128 : i32
    %mul3A_4 = arith.muli %add3A, %mul3A_3 : i32
    %mul3A_5 = arith.constant 50 : i32
    %mul3A_6 = arith.muli %mul3A_4, %mul3A_5 : i32
    "tpu.region"() ({
      %run_scoped3A = tpu.sem_alloc : memref<!tpu.dma_semaphore, #tpu.memory_space<semaphore_mem>>
      %dma_start3A_59 = arith.constant 0 : i32
      %dma_start3A_60 = tpu.memref_slice %arg3[%mul3A_2, %dma_start3A_59] : memref<4096x50xi32, #tpu.memory_space<hbm>> -> memref<128x50xi32, #tpu.memory_space<hbm>>
      %dma_start3A_61 = arith.constant 0 : i32
      %dma_start3A_62 = tpu.memref_slice %arg3[%mul3A_2, %dma_start3A_61] : memref<4096x50xi32, #tpu.memory_space<hbm>> -> memref<128x50xi32, #tpu.memory_space<hbm>>
      tpu.enqueue_dma source(%dma_start3A_62 : memref<128x50xi32, #tpu.memory_space<hbm>>) target(%arg5 : memref<128x50xi32, #tpu.memory_space<vmem>>) target_semaphore(%run_scoped3A : memref<!tpu.dma_semaphore, #tpu.memory_space<semaphore_mem>>)
      %dma_wait3A_63 = arith.constant 0 : i32
      %dma_wait3A_64 = tpu.memref_slice %arg3[%mul3A_2, %dma_wait3A_63] : memref<4096x50xi32, #tpu.memory_space<hbm>> -> memref<128x50xi32, #tpu.memory_space<hbm>>
      %dma_wait3A_65 = arith.constant 0 : i32
      %dma_wait3A_66 = tpu.memref_slice %arg3[%mul3A_2, %dma_wait3A_65] : memref<4096x50xi32, #tpu.memory_space<hbm>> -> memref<128x50xi32, #tpu.memory_space<hbm>>
      tpu.wait_dma2 semaphore(%run_scoped3A : memref<!tpu.dma_semaphore, #tpu.memory_space<semaphore_mem>>) src(%dma_wait3A_66 : memref<128x50xi32, #tpu.memory_space<hbm>>) dst(%arg5 : memref<128x50xi32, #tpu.memory_space<vmem>>)
      tpu.yield
    }) : () -> ()
    %dma_start3A = arith.constant 0 : i32
    %dma_start3A_7 = arith.constant 0 : i32
    %dma_start3A_8 = arith.constant 0 : i32
    %dma_start3A_9 = tpu.memref_slice %arg6[%dma_start3A_7, %dma_start3A_8] : memref<200x64xf32, #tpu.memory_space<vmem>> -> memref<50x64xf32, #tpu.memory_space<vmem>>
    %dma_start3A_10 = arith.constant 0 : i32
    %dma_start3A_11 = tpu.memref_slice %arg5[%dma_start3A, %dma_start3A_10] : memref<128x50xi32, #tpu.memory_space<vmem>> -> memref<1x50xi32, #tpu.memory_space<vmem>>
    %dma_start3A_12 = tpu.memref_squeeze %dma_start3A_11 : memref<1x50xi32, #tpu.memory_space<vmem>> -> memref<50xi32, #tpu.memory_space<vmem>>
    %dma_start3A_13 = arith.constant 0 : i32
    %dma_start3A_14 = arith.constant 0 : i32
    %dma_start3A_15 = tpu.memref_slice %arg2[%dma_start3A_13, %dma_start3A_14] : memref<1000000x64xf32, #tpu.memory_space<hbm>> -> memref<1000000x64xf32, #tpu.memory_space<hbm>>
    tpu.enqueue_indirect_dma source(%dma_start3A_15 : memref<1000000x64xf32, #tpu.memory_space<hbm>>) target(%dma_start3A_9 : memref<50x64xf32, #tpu.memory_space<vmem>>) offsets(%dma_start3A_12 : memref<50xi32, #tpu.memory_space<vmem>>) semaphore(%arg8 : memref<!tpu.dma_semaphore, #tpu.memory_space<semaphore_mem>>)
    %dma_start3A_16 = arith.constant 1 : i32
    %dma_start3A_17 = arith.constant 50 : i32
    %dma_start3A_18 = arith.constant 0 : i32
    %dma_start3A_19 = tpu.memref_slice %arg6[%dma_start3A_17, %dma_start3A_18] : memref<200x64xf32, #tpu.memory_space<vmem>> -> memref<50x64xf32, #tpu.memory_space<vmem>>
    %dma_start3A_20 = arith.constant 0 : i32
    %dma_start3A_21 = tpu.memref_slice %arg5[%dma_start3A_16, %dma_start3A_20] : memref<128x50xi32, #tpu.memory_space<vmem>> -> memref<1x50xi32, #tpu.memory_space<vmem>>
    %dma_start3A_22 = tpu.memref_squeeze %dma_start3A_21 : memref<1x50xi32, #tpu.memory_space<vmem>> -> memref<50xi32, #tpu.memory_space<vmem>>
    %dma_start3A_23 = arith.constant 0 : i32
    %dma_start3A_24 = arith.constant 0 : i32
    %dma_start3A_25 = tpu.memref_slice %arg2[%dma_start3A_23, %dma_start3A_24] : memref<1000000x64xf32, #tpu.memory_space<hbm>> -> memref<1000000x64xf32, #tpu.memory_space<hbm>>
    tpu.enqueue_indirect_dma source(%dma_start3A_25 : memref<1000000x64xf32, #tpu.memory_space<hbm>>) target(%dma_start3A_19 : memref<50x64xf32, #tpu.memory_space<vmem>>) offsets(%dma_start3A_22 : memref<50xi32, #tpu.memory_space<vmem>>) semaphore(%arg8 : memref<!tpu.dma_semaphore, #tpu.memory_space<semaphore_mem>>)
    %dma_start3A_26 = arith.constant 2 : i32
    %dma_start3A_27 = arith.constant 100 : i32
    %dma_start3A_28 = arith.constant 0 : i32
    %dma_start3A_29 = tpu.memref_slice %arg6[%dma_start3A_27, %dma_start3A_28] : memref<200x64xf32, #tpu.memory_space<vmem>> -> memref<50x64xf32, #tpu.memory_space<vmem>>
    %dma_start3A_30 = arith.constant 0 : i32
    %dma_start3A_31 = tpu.memref_slice %arg5[%dma_start3A_26, %dma_start3A_30] : memref<128x50xi32, #tpu.memory_space<vmem>> -> memref<1x50xi32, #tpu.memory_space<vmem>>
    %dma_start3A_32 = tpu.memref_squeeze %dma_start3A_31 : memref<1x50xi32, #tpu.memory_space<vmem>> -> memref<50xi32, #tpu.memory_space<vmem>>
    %dma_start3A_33 = arith.constant 0 : i32
    %dma_start3A_34 = arith.constant 0 : i32
    %dma_start3A_35 = tpu.memref_slice %arg2[%dma_start3A_33, %dma_start3A_34] : memref<1000000x64xf32, #tpu.memory_space<hbm>> -> memref<1000000x64xf32, #tpu.memory_space<hbm>>
    tpu.enqueue_indirect_dma source(%dma_start3A_35 : memref<1000000x64xf32, #tpu.memory_space<hbm>>) target(%dma_start3A_29 : memref<50x64xf32, #tpu.memory_space<vmem>>) offsets(%dma_start3A_32 : memref<50xi32, #tpu.memory_space<vmem>>) semaphore(%arg8 : memref<!tpu.dma_semaphore, #tpu.memory_space<semaphore_mem>>)
    %dma_start3A_36 = arith.constant 3 : i32
    %dma_start3A_37 = arith.constant 150 : i32
    %dma_start3A_38 = arith.constant 0 : i32
    %dma_start3A_39 = tpu.memref_slice %arg6[%dma_start3A_37, %dma_start3A_38] : memref<200x64xf32, #tpu.memory_space<vmem>> -> memref<50x64xf32, #tpu.memory_space<vmem>>
    %dma_start3A_40 = arith.constant 0 : i32
    %dma_start3A_41 = tpu.memref_slice %arg5[%dma_start3A_36, %dma_start3A_40] : memref<128x50xi32, #tpu.memory_space<vmem>> -> memref<1x50xi32, #tpu.memory_space<vmem>>
    %dma_start3A_42 = tpu.memref_squeeze %dma_start3A_41 : memref<1x50xi32, #tpu.memory_space<vmem>> -> memref<50xi32, #tpu.memory_space<vmem>>
    %dma_start3A_43 = arith.constant 0 : i32
    %dma_start3A_44 = arith.constant 0 : i32
    %dma_start3A_45 = tpu.memref_slice %arg2[%dma_start3A_43, %dma_start3A_44] : memref<1000000x64xf32, #tpu.memory_space<hbm>> -> memref<1000000x64xf32, #tpu.memory_space<hbm>>
    tpu.enqueue_indirect_dma source(%dma_start3A_45 : memref<1000000x64xf32, #tpu.memory_space<hbm>>) target(%dma_start3A_39 : memref<50x64xf32, #tpu.memory_space<vmem>>) offsets(%dma_start3A_42 : memref<50xi32, #tpu.memory_space<vmem>>) semaphore(%arg8 : memref<!tpu.dma_semaphore, #tpu.memory_space<semaphore_mem>>)
    %scan3A = arith.constant 0 : i32
    %scan3A_46 = arith.constant 0 : i32
    %scan3A_47 = arith.constant 16 : i32
    %scan3A_48 = arith.addi %scan3A_46, %scan3A_47 : i32
    %scan3A_49 = arith.constant 1 : i32
    %scan3A_50 = scf.for %scan3A_59 = %scan3A_46 to %scan3A_48 step %scan3A_49 iter_args(%scan3A_60 = %scan3A) -> (i32)  : i32 {
      %mul3A_61 = arith.constant 2 : i32
      %mul3A_62 = arith.muli %mul3A_61, %scan3A_59 : i32
      %gt3A = arith.constant 0 : i32
      %gt3A_63 = arith.cmpi sgt, %scan3A_59, %gt3A : i32
      %convert_element_type3A = arith.extui %gt3A_63 : i1 to i32
      %cond3A = arith.constant 0 : i32
      %cond3A_64 = arith.cmpi ne, %convert_element_type3A, %cond3A : i32
      scf.if %cond3A_64 {
        %dma_wait3A_220 = arith.constant 0 : i32
        %dma_wait3A_221 = tpu.memref_slice %arg4[%mul3A_6, %dma_wait3A_220] : memref<204800x64xf32, #tpu.memory_space<hbm>> -> memref<200x64xf32, #tpu.memory_space<hbm>>
        %dma_wait3A_222 = arith.constant 0 : i32
        %dma_wait3A_223 = tpu.memref_slice %arg4[%mul3A_6, %dma_wait3A_222] : memref<204800x64xf32, #tpu.memory_space<hbm>> -> memref<200x64xf32, #tpu.memory_space<hbm>>
        tpu.wait_dma2 semaphore(%arg11 : memref<!tpu.dma_semaphore, #tpu.memory_space<semaphore_mem>>) src(%arg7 : memref<200x64xf32, #tpu.memory_space<vmem>>) dst(%dma_wait3A_223 : memref<200x64xf32, #tpu.memory_space<hbm>>)
      } else {
      }
      %add3A_65 = arith.constant 1 : i32
      %add3A_66 = arith.addi %mul3A_62, %add3A_65 : i32
      %mul3A_67 = arith.constant 4 : i32
      %mul3A_68 = arith.muli %add3A_66, %mul3A_67 : i32
      %add3A_69 = arith.constant 0 : i32
      %add3A_70 = arith.addi %mul3A_68, %add3A_69 : i32
      %dma_start3A_71 = arith.constant 0 : i32
      %dma_start3A_72 = arith.constant 0 : i32
      %dma_start3A_73 = tpu.memref_slice %arg7[%dma_start3A_71, %dma_start3A_72] : memref<200x64xf32, #tpu.memory_space<vmem>> -> memref<50x64xf32, #tpu.memory_space<vmem>>
      %dma_start3A_74 = arith.constant 0 : i32
      %dma_start3A_75 = tpu.memref_slice %arg5[%add3A_70, %dma_start3A_74] : memref<128x50xi32, #tpu.memory_space<vmem>> -> memref<1x50xi32, #tpu.memory_space<vmem>>
      %dma_start3A_76 = tpu.memref_squeeze %dma_start3A_75 : memref<1x50xi32, #tpu.memory_space<vmem>> -> memref<50xi32, #tpu.memory_space<vmem>>
      %dma_start3A_77 = arith.constant 0 : i32
      %dma_start3A_78 = arith.constant 0 : i32
      %dma_start3A_79 = tpu.memref_slice %arg2[%dma_start3A_77, %dma_start3A_78] : memref<1000000x64xf32, #tpu.memory_space<hbm>> -> memref<1000000x64xf32, #tpu.memory_space<hbm>>
      tpu.enqueue_indirect_dma source(%dma_start3A_79 : memref<1000000x64xf32, #tpu.memory_space<hbm>>) target(%dma_start3A_73 : memref<50x64xf32, #tpu.memory_space<vmem>>) offsets(%dma_start3A_76 : memref<50xi32, #tpu.memory_space<vmem>>) semaphore(%arg9 : memref<!tpu.dma_semaphore, #tpu.memory_space<semaphore_mem>>)
      %mul3A_80 = arith.constant 4 : i32
      %mul3A_81 = arith.muli %add3A_66, %mul3A_80 : i32
      %add3A_82 = arith.constant 1 : i32
      %add3A_83 = arith.addi %mul3A_81, %add3A_82 : i32
      %dma_start3A_84 = arith.constant 50 : i32
      %dma_start3A_85 = arith.constant 0 : i32
      %dma_start3A_86 = tpu.memref_slice %arg7[%dma_start3A_84, %dma_start3A_85] : memref<200x64xf32, #tpu.memory_space<vmem>> -> memref<50x64xf32, #tpu.memory_space<vmem>>
      %dma_start3A_87 = arith.constant 0 : i32
      %dma_start3A_88 = tpu.memref_slice %arg5[%add3A_83, %dma_start3A_87] : memref<128x50xi32, #tpu.memory_space<vmem>> -> memref<1x50xi32, #tpu.memory_space<vmem>>
      %dma_start3A_89 = tpu.memref_squeeze %dma_start3A_88 : memref<1x50xi32, #tpu.memory_space<vmem>> -> memref<50xi32, #tpu.memory_space<vmem>>
      %dma_start3A_90 = arith.constant 0 : i32
      %dma_start3A_91 = arith.constant 0 : i32
      %dma_start3A_92 = tpu.memref_slice %arg2[%dma_start3A_90, %dma_start3A_91] : memref<1000000x64xf32, #tpu.memory_space<hbm>> -> memref<1000000x64xf32, #tpu.memory_space<hbm>>
      tpu.enqueue_indirect_dma source(%dma_start3A_92 : memref<1000000x64xf32, #tpu.memory_space<hbm>>) target(%dma_start3A_86 : memref<50x64xf32, #tpu.memory_space<vmem>>) offsets(%dma_start3A_89 : memref<50xi32, #tpu.memory_space<vmem>>) semaphore(%arg9 : memref<!tpu.dma_semaphore, #tpu.memory_space<semaphore_mem>>)
      %mul3A_93 = arith.constant 4 : i32
      %mul3A_94 = arith.muli %add3A_66, %mul3A_93 : i32
      %add3A_95 = arith.constant 2 : i32
      %add3A_96 = arith.addi %mul3A_94, %add3A_95 : i32
      %dma_start3A_97 = arith.constant 100 : i32
      %dma_start3A_98 = arith.constant 0 : i32
      %dma_start3A_99 = tpu.memref_slice %arg7[%dma_start3A_97, %dma_start3A_98] : memref<200x64xf32, #tpu.memory_space<vmem>> -> memref<50x64xf32, #tpu.memory_space<vmem>>
      %dma_start3A_100 = arith.constant 0 : i32
      %dma_start3A_101 = tpu.memref_slice %arg5[%add3A_96, %dma_start3A_100] : memref<128x50xi32, #tpu.memory_space<vmem>> -> memref<1x50xi32, #tpu.memory_space<vmem>>
      %dma_start3A_102 = tpu.memref_squeeze %dma_start3A_101 : memref<1x50xi32, #tpu.memory_space<vmem>> -> memref<50xi32, #tpu.memory_space<vmem>>
      %dma_start3A_103 = arith.constant 0 : i32
      %dma_start3A_104 = arith.constant 0 : i32
      %dma_start3A_105 = tpu.memref_slice %arg2[%dma_start3A_103, %dma_start3A_104] : memref<1000000x64xf32, #tpu.memory_space<hbm>> -> memref<1000000x64xf32, #tpu.memory_space<hbm>>
      tpu.enqueue_indirect_dma source(%dma_start3A_105 : memref<1000000x64xf32, #tpu.memory_space<hbm>>) target(%dma_start3A_99 : memref<50x64xf32, #tpu.memory_space<vmem>>) offsets(%dma_start3A_102 : memref<50xi32, #tpu.memory_space<vmem>>) semaphore(%arg9 : memref<!tpu.dma_semaphore, #tpu.memory_space<semaphore_mem>>)
      %mul3A_106 = arith.constant 4 : i32
      %mul3A_107 = arith.muli %add3A_66, %mul3A_106 : i32
      %add3A_108 = arith.constant 3 : i32
      %add3A_109 = arith.addi %mul3A_107, %add3A_108 : i32
      %dma_start3A_110 = arith.constant 150 : i32
      %dma_start3A_111 = arith.constant 0 : i32
      %dma_start3A_112 = tpu.memref_slice %arg7[%dma_start3A_110, %dma_start3A_111] : memref<200x64xf32, #tpu.memory_space<vmem>> -> memref<50x64xf32, #tpu.memory_space<vmem>>
      %dma_start3A_113 = arith.constant 0 : i32
      %dma_start3A_114 = tpu.memref_slice %arg5[%add3A_109, %dma_start3A_113] : memref<128x50xi32, #tpu.memory_space<vmem>> -> memref<1x50xi32, #tpu.memory_space<vmem>>
      %dma_start3A_115 = tpu.memref_squeeze %dma_start3A_114 : memref<1x50xi32, #tpu.memory_space<vmem>> -> memref<50xi32, #tpu.memory_space<vmem>>
      %dma_start3A_116 = arith.constant 0 : i32
      %dma_start3A_117 = arith.constant 0 : i32
      %dma_start3A_118 = tpu.memref_slice %arg2[%dma_start3A_116, %dma_start3A_117] : memref<1000000x64xf32, #tpu.memory_space<hbm>> -> memref<1000000x64xf32, #tpu.memory_space<hbm>>
      tpu.enqueue_indirect_dma source(%dma_start3A_118 : memref<1000000x64xf32, #tpu.memory_space<hbm>>) target(%dma_start3A_112 : memref<50x64xf32, #tpu.memory_space<vmem>>) offsets(%dma_start3A_115 : memref<50xi32, #tpu.memory_space<vmem>>) semaphore(%arg9 : memref<!tpu.dma_semaphore, #tpu.memory_space<semaphore_mem>>)
      %dma_wait3A_119 = arith.constant 0 : i32
      %dma_wait3A_120 = arith.constant 0 : i32
      %dma_wait3A_121 = arith.constant 0 : i32
      %dma_wait3A_122 = tpu.memref_slice %arg6[%dma_wait3A_120, %dma_wait3A_121] : memref<200x64xf32, #tpu.memory_space<vmem>> -> memref<50x64xf32, #tpu.memory_space<vmem>>
      %dma_wait3A_123 = arith.constant 0 : i32
      %dma_wait3A_124 = tpu.memref_slice %arg5[%dma_wait3A_119, %dma_wait3A_123] : memref<128x50xi32, #tpu.memory_space<vmem>> -> memref<1x50xi32, #tpu.memory_space<vmem>>
      %dma_wait3A_125 = tpu.memref_squeeze %dma_wait3A_124 : memref<1x50xi32, #tpu.memory_space<vmem>> -> memref<50xi32, #tpu.memory_space<vmem>>
      %dma_wait3A_126 = arith.constant 0 : i32
      %dma_wait3A_127 = arith.constant 0 : i32
      %dma_wait3A_128 = tpu.memref_slice %arg2[%dma_wait3A_126, %dma_wait3A_127] : memref<1000000x64xf32, #tpu.memory_space<hbm>> -> memref<1000000x64xf32, #tpu.memory_space<hbm>>
      tpu.wait_indirect_dma semaphore(%arg8 : memref<!tpu.dma_semaphore, #tpu.memory_space<semaphore_mem>>) src(%dma_wait3A_128 : memref<1000000x64xf32, #tpu.memory_space<hbm>>) dst(%dma_wait3A_122 : memref<50x64xf32, #tpu.memory_space<vmem>>)
      %dma_wait3A_129 = arith.constant 0 : i32
      %dma_wait3A_130 = arith.constant 50 : i32
      %dma_wait3A_131 = arith.constant 0 : i32
      %dma_wait3A_132 = tpu.memref_slice %arg6[%dma_wait3A_130, %dma_wait3A_131] : memref<200x64xf32, #tpu.memory_space<vmem>> -> memref<50x64xf32, #tpu.memory_space<vmem>>
      %dma_wait3A_133 = arith.constant 0 : i32
      %dma_wait3A_134 = tpu.memref_slice %arg5[%dma_wait3A_129, %dma_wait3A_133] : memref<128x50xi32, #tpu.memory_space<vmem>> -> memref<1x50xi32, #tpu.memory_space<vmem>>
      %dma_wait3A_135 = tpu.memref_squeeze %dma_wait3A_134 : memref<1x50xi32, #tpu.memory_space<vmem>> -> memref<50xi32, #tpu.memory_space<vmem>>
      %dma_wait3A_136 = arith.constant 0 : i32
      %dma_wait3A_137 = arith.constant 0 : i32
      %dma_wait3A_138 = tpu.memref_slice %arg2[%dma_wait3A_136, %dma_wait3A_137] : memref<1000000x64xf32, #tpu.memory_space<hbm>> -> memref<1000000x64xf32, #tpu.memory_space<hbm>>
      tpu.wait_indirect_dma semaphore(%arg8 : memref<!tpu.dma_semaphore, #tpu.memory_space<semaphore_mem>>) src(%dma_wait3A_138 : memref<1000000x64xf32, #tpu.memory_space<hbm>>) dst(%dma_wait3A_132 : memref<50x64xf32, #tpu.memory_space<vmem>>)
      %dma_wait3A_139 = arith.constant 0 : i32
      %dma_wait3A_140 = arith.constant 100 : i32
      %dma_wait3A_141 = arith.constant 0 : i32
      %dma_wait3A_142 = tpu.memref_slice %arg6[%dma_wait3A_140, %dma_wait3A_141] : memref<200x64xf32, #tpu.memory_space<vmem>> -> memref<50x64xf32, #tpu.memory_space<vmem>>
      %dma_wait3A_143 = arith.constant 0 : i32
      %dma_wait3A_144 = tpu.memref_slice %arg5[%dma_wait3A_139, %dma_wait3A_143] : memref<128x50xi32, #tpu.memory_space<vmem>> -> memref<1x50xi32, #tpu.memory_space<vmem>>
      %dma_wait3A_145 = tpu.memref_squeeze %dma_wait3A_144 : memref<1x50xi32, #tpu.memory_space<vmem>> -> memref<50xi32, #tpu.memory_space<vmem>>
      %dma_wait3A_146 = arith.constant 0 : i32
      %dma_wait3A_147 = arith.constant 0 : i32
      %dma_wait3A_148 = tpu.memref_slice %arg2[%dma_wait3A_146, %dma_wait3A_147] : memref<1000000x64xf32, #tpu.memory_space<hbm>> -> memref<1000000x64xf32, #tpu.memory_space<hbm>>
      tpu.wait_indirect_dma semaphore(%arg8 : memref<!tpu.dma_semaphore, #tpu.memory_space<semaphore_mem>>) src(%dma_wait3A_148 : memref<1000000x64xf32, #tpu.memory_space<hbm>>) dst(%dma_wait3A_142 : memref<50x64xf32, #tpu.memory_space<vmem>>)
      %dma_wait3A_149 = arith.constant 0 : i32
      %dma_wait3A_150 = arith.constant 150 : i32
      %dma_wait3A_151 = arith.constant 0 : i32
      %dma_wait3A_152 = tpu.memref_slice %arg6[%dma_wait3A_150, %dma_wait3A_151] : memref<200x64xf32, #tpu.memory_space<vmem>> -> memref<50x64xf32, #tpu.memory_space<vmem>>
      %dma_wait3A_153 = arith.constant 0 : i32
      %dma_wait3A_154 = tpu.memref_slice %arg5[%dma_wait3A_149, %dma_wait3A_153] : memref<128x50xi32, #tpu.memory_space<vmem>> -> memref<1x50xi32, #tpu.memory_space<vmem>>
      %dma_wait3A_155 = tpu.memref_squeeze %dma_wait3A_154 : memref<1x50xi32, #tpu.memory_space<vmem>> -> memref<50xi32, #tpu.memory_space<vmem>>
      %dma_wait3A_156 = arith.constant 0 : i32
      %dma_wait3A_157 = arith.constant 0 : i32
      %dma_wait3A_158 = tpu.memref_slice %arg2[%dma_wait3A_156, %dma_wait3A_157] : memref<1000000x64xf32, #tpu.memory_space<hbm>> -> memref<1000000x64xf32, #tpu.memory_space<hbm>>
      tpu.wait_indirect_dma semaphore(%arg8 : memref<!tpu.dma_semaphore, #tpu.memory_space<semaphore_mem>>) src(%dma_wait3A_158 : memref<1000000x64xf32, #tpu.memory_space<hbm>>) dst(%dma_wait3A_152 : memref<50x64xf32, #tpu.memory_space<vmem>>)
      %mul3A_159 = arith.constant 200 : i32
      %mul3A_160 = arith.muli %mul3A_62, %mul3A_159 : i32
      %add3A_161 = arith.addi %mul3A_6, %mul3A_160 : i32
      %dma_start3A_162 = arith.constant 0 : i32
      %dma_start3A_163 = tpu.memref_slice %arg4[%add3A_161, %dma_start3A_162] : memref<204800x64xf32, #tpu.memory_space<hbm>> -> memref<200x64xf32, #tpu.memory_space<hbm>>
      %dma_start3A_164 = arith.constant 0 : i32
      %dma_start3A_165 = tpu.memref_slice %arg4[%add3A_161, %dma_start3A_164] : memref<204800x64xf32, #tpu.memory_space<hbm>> -> memref<200x64xf32, #tpu.memory_space<hbm>>
      tpu.enqueue_dma source(%arg6 : memref<200x64xf32, #tpu.memory_space<vmem>>) target(%dma_start3A_165 : memref<200x64xf32, #tpu.memory_space<hbm>>) target_semaphore(%arg10 : memref<!tpu.dma_semaphore, #tpu.memory_space<semaphore_mem>>)
      %lt3A = arith.constant 15 : i32
      %lt3A_166 = arith.cmpi slt, %scan3A_59, %lt3A : i32
      %convert_element_type3A_167 = arith.extui %lt3A_166 : i1 to i32
      %cond3A_168 = arith.constant 0 : i32
      %cond3A_169 = arith.cmpi ne, %convert_element_type3A_167, %cond3A_168 : i32
      scf.if %cond3A_169 {
        %dma_wait3A_220 = arith.constant 0 : i32
        %dma_wait3A_221 = tpu.memref_slice %arg4[%mul3A_6, %dma_wait3A_220] : memref<204800x64xf32, #tpu.memory_space<hbm>> -> memref<200x64xf32, #tpu.memory_space<hbm>>
        %dma_wait3A_222 = arith.constant 0 : i32
        %dma_wait3A_223 = tpu.memref_slice %arg4[%mul3A_6, %dma_wait3A_222] : memref<204800x64xf32, #tpu.memory_space<hbm>> -> memref<200x64xf32, #tpu.memory_space<hbm>>
        tpu.wait_dma2 semaphore(%arg10 : memref<!tpu.dma_semaphore, #tpu.memory_space<semaphore_mem>>) src(%arg6 : memref<200x64xf32, #tpu.memory_space<vmem>>) dst(%dma_wait3A_223 : memref<200x64xf32, #tpu.memory_space<hbm>>)
        %add3A_224 = arith.constant 2 : i32
        %add3A_225 = arith.addi %mul3A_62, %add3A_224 : i32
        %mul3A_226 = arith.constant 4 : i32
        %mul3A_227 = arith.muli %add3A_225, %mul3A_226 : i32
        %add3A_228 = arith.constant 0 : i32
        %add3A_229 = arith.addi %mul3A_227, %add3A_228 : i32
        %dma_start3A_230 = arith.constant 0 : i32
        %dma_start3A_231 = arith.constant 0 : i32
        %dma_start3A_232 = tpu.memref_slice %arg6[%dma_start3A_230, %dma_start3A_231] : memref<200x64xf32, #tpu.memory_space<vmem>> -> memref<50x64xf32, #tpu.memory_space<vmem>>
        %dma_start3A_233 = arith.constant 0 : i32
        %dma_start3A_234 = tpu.memref_slice %arg5[%add3A_229, %dma_start3A_233] : memref<128x50xi32, #tpu.memory_space<vmem>> -> memref<1x50xi32, #tpu.memory_space<vmem>>
        %dma_start3A_235 = tpu.memref_squeeze %dma_start3A_234 : memref<1x50xi32, #tpu.memory_space<vmem>> -> memref<50xi32, #tpu.memory_space<vmem>>
        %dma_start3A_236 = arith.constant 0 : i32
        %dma_start3A_237 = arith.constant 0 : i32
        %dma_start3A_238 = tpu.memref_slice %arg2[%dma_start3A_236, %dma_start3A_237] : memref<1000000x64xf32, #tpu.memory_space<hbm>> -> memref<1000000x64xf32, #tpu.memory_space<hbm>>
        tpu.enqueue_indirect_dma source(%dma_start3A_238 : memref<1000000x64xf32, #tpu.memory_space<hbm>>) target(%dma_start3A_232 : memref<50x64xf32, #tpu.memory_space<vmem>>) offsets(%dma_start3A_235 : memref<50xi32, #tpu.memory_space<vmem>>) semaphore(%arg8 : memref<!tpu.dma_semaphore, #tpu.memory_space<semaphore_mem>>)
        %mul3A_239 = arith.constant 4 : i32
        %mul3A_240 = arith.muli %add3A_225, %mul3A_239 : i32
        %add3A_241 = arith.constant 1 : i32
        %add3A_242 = arith.addi %mul3A_240, %add3A_241 : i32
        %dma_start3A_243 = arith.constant 50 : i32
        %dma_start3A_244 = arith.constant 0 : i32
        %dma_start3A_245 = tpu.memref_slice %arg6[%dma_start3A_243, %dma_start3A_244] : memref<200x64xf32, #tpu.memory_space<vmem>> -> memref<50x64xf32, #tpu.memory_space<vmem>>
        %dma_start3A_246 = arith.constant 0 : i32
        %dma_start3A_247 = tpu.memref_slice %arg5[%add3A_242, %dma_start3A_246] : memref<128x50xi32, #tpu.memory_space<vmem>> -> memref<1x50xi32, #tpu.memory_space<vmem>>
        %dma_start3A_248 = tpu.memref_squeeze %dma_start3A_247 : memref<1x50xi32, #tpu.memory_space<vmem>> -> memref<50xi32, #tpu.memory_space<vmem>>
        %dma_start3A_249 = arith.constant 0 : i32
        %dma_start3A_250 = arith.constant 0 : i32
        %dma_start3A_251 = tpu.memref_slice %arg2[%dma_start3A_249, %dma_start3A_250] : memref<1000000x64xf32, #tpu.memory_space<hbm>> -> memref<1000000x64xf32, #tpu.memory_space<hbm>>
        tpu.enqueue_indirect_dma source(%dma_start3A_251 : memref<1000000x64xf32, #tpu.memory_space<hbm>>) target(%dma_start3A_245 : memref<50x64xf32, #tpu.memory_space<vmem>>) offsets(%dma_start3A_248 : memref<50xi32, #tpu.memory_space<vmem>>) semaphore(%arg8 : memref<!tpu.dma_semaphore, #tpu.memory_space<semaphore_mem>>)
        %mul3A_252 = arith.constant 4 : i32
        %mul3A_253 = arith.muli %add3A_225, %mul3A_252 : i32
        %add3A_254 = arith.constant 2 : i32
        %add3A_255 = arith.addi %mul3A_253, %add3A_254 : i32
        %dma_start3A_256 = arith.constant 100 : i32
        %dma_start3A_257 = arith.constant 0 : i32
        %dma_start3A_258 = tpu.memref_slice %arg6[%dma_start3A_256, %dma_start3A_257] : memref<200x64xf32, #tpu.memory_space<vmem>> -> memref<50x64xf32, #tpu.memory_space<vmem>>
        %dma_start3A_259 = arith.constant 0 : i32
        %dma_start3A_260 = tpu.memref_slice %arg5[%add3A_255, %dma_start3A_259] : memref<128x50xi32, #tpu.memory_space<vmem>> -> memref<1x50xi32, #tpu.memory_space<vmem>>
        %dma_start3A_261 = tpu.memref_squeeze %dma_start3A_260 : memref<1x50xi32, #tpu.memory_space<vmem>> -> memref<50xi32, #tpu.memory_space<vmem>>
        %dma_start3A_262 = arith.constant 0 : i32
        %dma_start3A_263 = arith.constant 0 : i32
        %dma_start3A_264 = tpu.memref_slice %arg2[%dma_start3A_262, %dma_start3A_263] : memref<1000000x64xf32, #tpu.memory_space<hbm>> -> memref<1000000x64xf32, #tpu.memory_space<hbm>>
        tpu.enqueue_indirect_dma source(%dma_start3A_264 : memref<1000000x64xf32, #tpu.memory_space<hbm>>) target(%dma_start3A_258 : memref<50x64xf32, #tpu.memory_space<vmem>>) offsets(%dma_start3A_261 : memref<50xi32, #tpu.memory_space<vmem>>) semaphore(%arg8 : memref<!tpu.dma_semaphore, #tpu.memory_space<semaphore_mem>>)
        %mul3A_265 = arith.constant 4 : i32
        %mul3A_266 = arith.muli %add3A_225, %mul3A_265 : i32
        %add3A_267 = arith.constant 3 : i32
        %add3A_268 = arith.addi %mul3A_266, %add3A_267 : i32
        %dma_start3A_269 = arith.constant 150 : i32
        %dma_start3A_270 = arith.constant 0 : i32
        %dma_start3A_271 = tpu.memref_slice %arg6[%dma_start3A_269, %dma_start3A_270] : memref<200x64xf32, #tpu.memory_space<vmem>> -> memref<50x64xf32, #tpu.memory_space<vmem>>
        %dma_start3A_272 = arith.constant 0 : i32
        %dma_start3A_273 = tpu.memref_slice %arg5[%add3A_268, %dma_start3A_272] : memref<128x50xi32, #tpu.memory_space<vmem>> -> memref<1x50xi32, #tpu.memory_space<vmem>>
        %dma_start3A_274 = tpu.memref_squeeze %dma_start3A_273 : memref<1x50xi32, #tpu.memory_space<vmem>> -> memref<50xi32, #tpu.memory_space<vmem>>
        %dma_start3A_275 = arith.constant 0 : i32
        %dma_start3A_276 = arith.constant 0 : i32
        %dma_start3A_277 = tpu.memref_slice %arg2[%dma_start3A_275, %dma_start3A_276] : memref<1000000x64xf32, #tpu.memory_space<hbm>> -> memref<1000000x64xf32, #tpu.memory_space<hbm>>
        tpu.enqueue_indirect_dma source(%dma_start3A_277 : memref<1000000x64xf32, #tpu.memory_space<hbm>>) target(%dma_start3A_271 : memref<50x64xf32, #tpu.memory_space<vmem>>) offsets(%dma_start3A_274 : memref<50xi32, #tpu.memory_space<vmem>>) semaphore(%arg8 : memref<!tpu.dma_semaphore, #tpu.memory_space<semaphore_mem>>)
      } else {
      }
      %dma_wait3A_170 = arith.constant 0 : i32
      %dma_wait3A_171 = arith.constant 0 : i32
      %dma_wait3A_172 = arith.constant 0 : i32
      %dma_wait3A_173 = tpu.memref_slice %arg7[%dma_wait3A_171, %dma_wait3A_172] : memref<200x64xf32, #tpu.memory_space<vmem>> -> memref<50x64xf32, #tpu.memory_space<vmem>>
      %dma_wait3A_174 = arith.constant 0 : i32
      %dma_wait3A_175 = tpu.memref_slice %arg5[%dma_wait3A_170, %dma_wait3A_174] : memref<128x50xi32, #tpu.memory_space<vmem>> -> memref<1x50xi32, #tpu.memory_space<vmem>>
      %dma_wait3A_176 = tpu.memref_squeeze %dma_wait3A_175 : memref<1x50xi32, #tpu.memory_space<vmem>> -> memref<50xi32, #tpu.memory_space<vmem>>
      %dma_wait3A_177 = arith.constant 0 : i32
      %dma_wait3A_178 = arith.constant 0 : i32
      %dma_wait3A_179 = tpu.memref_slice %arg2[%dma_wait3A_177, %dma_wait3A_178] : memref<1000000x64xf32, #tpu.memory_space<hbm>> -> memref<1000000x64xf32, #tpu.memory_space<hbm>>
      tpu.wait_indirect_dma semaphore(%arg9 : memref<!tpu.dma_semaphore, #tpu.memory_space<semaphore_mem>>) src(%dma_wait3A_179 : memref<1000000x64xf32, #tpu.memory_space<hbm>>) dst(%dma_wait3A_173 : memref<50x64xf32, #tpu.memory_space<vmem>>)
      %dma_wait3A_180 = arith.constant 0 : i32
      %dma_wait3A_181 = arith.constant 50 : i32
      %dma_wait3A_182 = arith.constant 0 : i32
      %dma_wait3A_183 = tpu.memref_slice %arg7[%dma_wait3A_181, %dma_wait3A_182] : memref<200x64xf32, #tpu.memory_space<vmem>> -> memref<50x64xf32, #tpu.memory_space<vmem>>
      %dma_wait3A_184 = arith.constant 0 : i32
      %dma_wait3A_185 = tpu.memref_slice %arg5[%dma_wait3A_180, %dma_wait3A_184] : memref<128x50xi32, #tpu.memory_space<vmem>> -> memref<1x50xi32, #tpu.memory_space<vmem>>
      %dma_wait3A_186 = tpu.memref_squeeze %dma_wait3A_185 : memref<1x50xi32, #tpu.memory_space<vmem>> -> memref<50xi32, #tpu.memory_space<vmem>>
      %dma_wait3A_187 = arith.constant 0 : i32
      %dma_wait3A_188 = arith.constant 0 : i32
      %dma_wait3A_189 = tpu.memref_slice %arg2[%dma_wait3A_187, %dma_wait3A_188] : memref<1000000x64xf32, #tpu.memory_space<hbm>> -> memref<1000000x64xf32, #tpu.memory_space<hbm>>
      tpu.wait_indirect_dma semaphore(%arg9 : memref<!tpu.dma_semaphore, #tpu.memory_space<semaphore_mem>>) src(%dma_wait3A_189 : memref<1000000x64xf32, #tpu.memory_space<hbm>>) dst(%dma_wait3A_183 : memref<50x64xf32, #tpu.memory_space<vmem>>)
      %dma_wait3A_190 = arith.constant 0 : i32
      %dma_wait3A_191 = arith.constant 100 : i32
      %dma_wait3A_192 = arith.constant 0 : i32
      %dma_wait3A_193 = tpu.memref_slice %arg7[%dma_wait3A_191, %dma_wait3A_192] : memref<200x64xf32, #tpu.memory_space<vmem>> -> memref<50x64xf32, #tpu.memory_space<vmem>>
      %dma_wait3A_194 = arith.constant 0 : i32
      %dma_wait3A_195 = tpu.memref_slice %arg5[%dma_wait3A_190, %dma_wait3A_194] : memref<128x50xi32, #tpu.memory_space<vmem>> -> memref<1x50xi32, #tpu.memory_space<vmem>>
      %dma_wait3A_196 = tpu.memref_squeeze %dma_wait3A_195 : memref<1x50xi32, #tpu.memory_space<vmem>> -> memref<50xi32, #tpu.memory_space<vmem>>
      %dma_wait3A_197 = arith.constant 0 : i32
      %dma_wait3A_198 = arith.constant 0 : i32
      %dma_wait3A_199 = tpu.memref_slice %arg2[%dma_wait3A_197, %dma_wait3A_198] : memref<1000000x64xf32, #tpu.memory_space<hbm>> -> memref<1000000x64xf32, #tpu.memory_space<hbm>>
      tpu.wait_indirect_dma semaphore(%arg9 : memref<!tpu.dma_semaphore, #tpu.memory_space<semaphore_mem>>) src(%dma_wait3A_199 : memref<1000000x64xf32, #tpu.memory_space<hbm>>) dst(%dma_wait3A_193 : memref<50x64xf32, #tpu.memory_space<vmem>>)
      %dma_wait3A_200 = arith.constant 0 : i32
      %dma_wait3A_201 = arith.constant 150 : i32
      %dma_wait3A_202 = arith.constant 0 : i32
      %dma_wait3A_203 = tpu.memref_slice %arg7[%dma_wait3A_201, %dma_wait3A_202] : memref<200x64xf32, #tpu.memory_space<vmem>> -> memref<50x64xf32, #tpu.memory_space<vmem>>
      %dma_wait3A_204 = arith.constant 0 : i32
      %dma_wait3A_205 = tpu.memref_slice %arg5[%dma_wait3A_200, %dma_wait3A_204] : memref<128x50xi32, #tpu.memory_space<vmem>> -> memref<1x50xi32, #tpu.memory_space<vmem>>
      %dma_wait3A_206 = tpu.memref_squeeze %dma_wait3A_205 : memref<1x50xi32, #tpu.memory_space<vmem>> -> memref<50xi32, #tpu.memory_space<vmem>>
      %dma_wait3A_207 = arith.constant 0 : i32
      %dma_wait3A_208 = arith.constant 0 : i32
      %dma_wait3A_209 = tpu.memref_slice %arg2[%dma_wait3A_207, %dma_wait3A_208] : memref<1000000x64xf32, #tpu.memory_space<hbm>> -> memref<1000000x64xf32, #tpu.memory_space<hbm>>
      tpu.wait_indirect_dma semaphore(%arg9 : memref<!tpu.dma_semaphore, #tpu.memory_space<semaphore_mem>>) src(%dma_wait3A_209 : memref<1000000x64xf32, #tpu.memory_space<hbm>>) dst(%dma_wait3A_203 : memref<50x64xf32, #tpu.memory_space<vmem>>)
      %add3A_210 = arith.constant 1 : i32
      %add3A_211 = arith.addi %mul3A_62, %add3A_210 : i32
      %mul3A_212 = arith.constant 200 : i32
      %mul3A_213 = arith.muli %add3A_211, %mul3A_212 : i32
      %add3A_214 = arith.addi %mul3A_6, %mul3A_213 : i32
      %dma_start3A_215 = arith.constant 0 : i32
      %dma_start3A_216 = tpu.memref_slice %arg4[%add3A_214, %dma_start3A_215] : memref<204800x64xf32, #tpu.memory_space<hbm>> -> memref<200x64xf32, #tpu.memory_space<hbm>>
      %dma_start3A_217 = arith.constant 0 : i32
      %dma_start3A_218 = tpu.memref_slice %arg4[%add3A_214, %dma_start3A_217] : memref<204800x64xf32, #tpu.memory_space<hbm>> -> memref<200x64xf32, #tpu.memory_space<hbm>>
      tpu.enqueue_dma source(%arg7 : memref<200x64xf32, #tpu.memory_space<vmem>>) target(%dma_start3A_218 : memref<200x64xf32, #tpu.memory_space<hbm>>) target_semaphore(%arg11 : memref<!tpu.dma_semaphore, #tpu.memory_space<semaphore_mem>>)
      %scan3A_219 = arith.constant 0 : i32
      scf.yield %scan3A_219 : i32
    }
    %scan3A_51 = arith.constant 16 : i32
    %dma_wait3A = arith.constant 0 : i32
    %dma_wait3A_52 = tpu.memref_slice %arg4[%mul3A_6, %dma_wait3A] : memref<204800x64xf32, #tpu.memory_space<hbm>> -> memref<200x64xf32, #tpu.memory_space<hbm>>
    %dma_wait3A_53 = arith.constant 0 : i32
    %dma_wait3A_54 = tpu.memref_slice %arg4[%mul3A_6, %dma_wait3A_53] : memref<204800x64xf32, #tpu.memory_space<hbm>> -> memref<200x64xf32, #tpu.memory_space<hbm>>
    tpu.wait_dma2 semaphore(%arg10 : memref<!tpu.dma_semaphore, #tpu.memory_space<semaphore_mem>>) src(%arg6 : memref<200x64xf32, #tpu.memory_space<vmem>>) dst(%dma_wait3A_54 : memref<200x64xf32, #tpu.memory_space<hbm>>)
    %dma_wait3A_55 = arith.constant 0 : i32
    %dma_wait3A_56 = tpu.memref_slice %arg4[%mul3A_6, %dma_wait3A_55] : memref<204800x64xf32, #tpu.memory_space<hbm>> -> memref<200x64xf32, #tpu.memory_space<hbm>>
    %dma_wait3A_57 = arith.constant 0 : i32
    %dma_wait3A_58 = tpu.memref_slice %arg4[%mul3A_6, %dma_wait3A_57] : memref<204800x64xf32, #tpu.memory_space<hbm>> -> memref<200x64xf32, #tpu.memory_space<hbm>>
    tpu.wait_dma2 semaphore(%arg11 : memref<!tpu.dma_semaphore, #tpu.memory_space<semaphore_mem>>) src(%arg7 : memref<200x64xf32, #tpu.memory_space<vmem>>) dst(%dma_wait3A_58 : memref<200x64xf32, #tpu.memory_space<hbm>>)
    return
  }
}

</mosaic_0001>

<sc_bundles>
// kernel: kernel.3.cloned.1.call-start
scs
__scs_entry_jumppad:
0x0: {  	(pc) =	sbr.rel $0x88, $3  }
0x1: {  	(tag) =	ssettag $0x0;
	lr =	simm.s32 $0x1  }
0x2: {  	[smem:$0x3F9F] =	sst lr;
	_ =	strace $0xD0000000  }
0x3: {  	_ = 	snop  }
0x4: {  	_ = 	snop  }
0x5: {  	_ = 	snop  }
0x6: {  	_ = 	snop  }
0x7: {  	_ = 	snop  }
__scs_overlays_trampoline_lowered:
0x8: {  	[smem:$0x3FAE] =	sst s0  }
0x9: {  	[smem:$0x3FAF] =	sst s1  }
0xa: {  	[smem:$0x3FB0] =	sst s2  }
0xb: {  	[smem:$0x3FB1] =	sst s3  }
0xc: {  	[smem:$0x3FB2] =	sst s4  }
0xd: {  	[smem:$0x3FB3] =	sst s5  }
0xe: {  	[smem:$0x3FB4] =	sst s6  }
0xf: {  	[smem:$0x3FB5] =	sst s7  }
0x10: {  	[smem:$0x3FB6] =	sst s8  }
0x11: {  	[smem:$0x3FB7] =	sst s9;
	s0 =	simm.s32 @!p0 $0x0  }
0x12: {  	s1 =	sld [smem:$0x3F9D];
	s0 =	simm.s32 @p0 $0x1  }
0x13: {  	[smem:$0x3FB8] =	sst s0;
	s0 =	simm.s32 @!p1 $0x0  }
0x14: {  	s2 =	sld [smem:$0x3F9C];
	s0 =	simm.s32 @p1 $0x1  }
0x15: {  	[smem:$0x3FB9] =	sst s0;
	s0 =	simm.s32 @!p2 $0x0  }
0x16: {  	s3 =	sld [smem:$0x3FDB];
	s0 =	simm.s32 @p2 $0x1  }
0x17: {  	s4 =	simm.s32 $0x1BF5;
	[smem:$0x3FBB] =	sst s0  }
0x18: {  	s0 =	sld [smem:$0x3F9E];
	_ =	swait.ge [sflag:s4], $0x0  }
0x19: {  	s7 =	sld [smem:$0x3F9F]  }
0x1a: {  	s8 =	sadd.s32 $0xFFFFE003, lr  }
0x1b: {  	s9 =	sadd.s32 $0xFFFFFEF7, lr;
	s5 =	simm.s32 $0xFFFFFFFF;
	p2 =	slt.u32 s8, $0xFFFFF086  }
0x1c: {  	p1 =	slt.u32 s9, $0xF7A;
	s5 =	simm.s32 @!p2 $0x0  }
0x1d: {  	s5 =	simm.s32 @p1 $0x1;
	p0 =	seq.s32 s7, s2  }
0x1e: {  	s7 =	smul.u32 @!p0 $0xF7A, s2;
	p2 =	seq.s32 @!p0 s5, $0x0  }
0x1f: {  	s9 =	smul.u32 $0xF7A, s1;
	s8 =	simm.s32 @!p0 $0x1BF5;
	p2 =	por !p2, p0  }
0x20: {  	[sflag:s8] =	ssyncset.s32 @!p0 $0xFFFFF086;
	s6 =	sadd.s32 @!p0 s3, s7;
	s7 =	simm.s32 @!p0 $0x108  }
0x21: {  	s3 =	sadd.s32 s3, s9;
	s6 =	sadd.s32 @!p0 $0x88, s6;
	s7 =	simm.s32 @p2 $0x1082  }
0x22: {  	[simem:s7], [sflag:s8] =	dma.local @!p0 [hbm:s6], $0xF7A  }
0x23: {  	s9 =	sor.u32 $0xD0000000, s2;
	s6 =	simm.s32 $0x108;
	_ =	swait.ge @!p0 [sflag:s8], $0x0  }
0x24: {  	s3 =	sadd.s32 $0x88, s3;
	s6 =	simm.s32 @!p1 $0x1082;
	[sflag:s4] =	ssyncset.s32 $0xFFFFF086  }
0x25: {  	[simem:s6], [sflag:s4] =	dma.local [hbm:s3], $0xF7A  }
0x26: {  	[smem:$0x3F9F] =	sst s1;
	(tag) =	ssettag s2;
	_ =	strace s9  }
0x27: {  	s1 =	sld [smem:$0x3FAF]  }
0x28: {  	s2 =	sld [smem:$0x3FB0]  }
0x29: {  	s4 =	sld [smem:$0x3FB2]  }
0x2a: {  	p0 =	seq.s32 s5, $0x0;
	s5 =	sld [smem:$0x3FB3]  }
0x2b: {  	s6 =	sld [smem:$0x3FB4]  }
0x2c: {  	s7 =	sld [smem:$0x3FB5]  }
0x2d: {  	s3 =	simm.s32 $0x108;
	s8 =	sld [smem:$0x3FB6]  }
0x2e: {  	s3 =	simm.s32 @!p0 $0x1082;
	s9 =	sld [smem:$0x3FB7]  }
0x2f: {  	lr =	sadd.s32 s0, s3;
	s0 =	sld [smem:$0x3FAE]  }
0x30: {  	s3 =	sld [smem:$0x3FB1]  }
0x31: {  	[smem:$0x3FBA] =	sst s10  }
0x32: {  	s10 =	sld [smem:$0x3FB8];
	_ =	sdelay $0x3  }
0x33: {  	p0 =	seq.s32 s10, $0x1;
	s10 =	sld [smem:$0x3FBA];
	_ =	sdelay $0x3  }
0x34: {  	[smem:$0x3FBA] =	sst s10  }
0x35: {  	s10 =	sld [smem:$0x3FB9];
	_ =	sdelay $0x3  }
0x36: {  	p1 =	seq.s32 s10, $0x1;
	s10 =	sld [smem:$0x3FBA];
	_ =	sdelay $0x3  }
0x37: {  	[smem:$0x3FBA] =	sst s10  }
0x38: {  	s10 =	sld [smem:$0x3FBB]  }
0x39: {  	_ = 	snop;
	(pc) =	sbr.ind lr, $3  }
0x3a: {  	_ = 	snop  }
0x3b: {  	_ = 	snop  }
0x3c: {  	p2 =	seq.s32 s10, $0x1;
	s10 =	sld [smem:$0x3FBA]  }
0x3d: {  	_ =	shalt  }
0x3e: {  	_ =	shalt  }
0x3f: {  	_ =	shalt  }
0x40: {  	_ =	shalt  }
0x41: {  	_ =	shalt  }
0x42: {  	_ =	shalt  }
0x43: {  	_ =	shalt  }
0x44: {  	_ =	shalt  }
0x45: {  	_ =	shalt  }
0x46: {  	_ =	shalt  }
0x47: {  	_ =	shalt  }
0x48: {  	_ =	shalt  }
0x49: {  	_ =	shalt  }
0x4a: {  	_ =	shalt  }
0x4b: {  	_ =	shalt  }
0x4c: {  	_ =	shalt  }
0x4d: {  	_ =	shalt  }
0x4e: {  	_ =	shalt  }
0x4f: {  	_ =	shalt  }
0x50: {  	_ =	shalt  }
0x51: {  	_ =	shalt  }
0x52: {  	_ =	shalt  }
0x53: {  	_ =	shalt  }
0x54: {  	_ =	shalt  }
0x55: {  	_ =	shalt  }
0x56: {  	_ =	shalt  }
0x57: {  	_ =	shalt  }
0x58: {  	_ =	shalt  }
0x59: {  	_ =	shalt  }
0x5a: {  	_ =	shalt  }
0x5b: {  	_ =	shalt  }
0x5c: {  	_ =	shalt  }
0x5d: {  	_ =	shalt  }
0x5e: {  	_ =	shalt  }
0x5f: {  	_ =	shalt  }
0x60: {  	_ =	shalt  }
0x61: {  	_ =	shalt  }
0x62: {  	_ =	shalt  }
0x63: {  	_ =	shalt  }
0x64: {  	_ =	shalt  }
0x65: {  	_ =	shalt  }
0x66: {  	_ =	shalt  }
0x67: {  	_ =	shalt  }
0x68: {  	_ =	shalt  }
0x69: {  	_ =	shalt  }
0x6a: {  	_ =	shalt  }
0x6b: {  	_ =	shalt  }
0x6c: {  	_ =	shalt  }
0x6d: {  	_ =	shalt  }
0x6e: {  	_ =	shalt  }
0x6f: {  	_ =	shalt  }
0x70: {  	_ =	shalt  }
0x71: {  	_ =	shalt  }
0x72: {  	_ =	shalt  }
0x73: {  	_ =	shalt  }
0x74: {  	_ =	shalt  }
0x75: {  	_ =	shalt  }
0x76: {  	_ =	shalt  }
0x77: {  	_ =	shalt  }
0x78: {  	_ =	shalt  }
0x79: {  	_ =	shalt  }
0x7a: {  	_ =	shalt  }
0x7b: {  	_ =	shalt  }
0x7c: {  	_ =	shalt  }
0x7d: {  	_ =	shalt  }
0x7e: {  	_ =	shalt  }
0x7f: {  	_ =	shalt  }
0x80: {  	_ =	shalt  }
0x81: {  	_ =	shalt  }
0x82: {  	_ =	shalt  }
0x83: {  	_ =	shalt  }
0x84: {  	_ =	shalt  }
0x85: {  	_ =	shalt  }
0x86: {  	_ =	shalt  }
0x87: {  	_ =	shalt  }
.Lfunc_end0:
.L_simem_size_0:
called_computation_lowered:
.L_overlay_start_0:
0x88: {  	s2 =	sld [smem:$0x3FD9]  }
0x89: {  	s3 =	sld [smem:$0x3FFE];
	_ =	sdelay $0x1  }
0x8a: {  	s1 =	srdreg.scid  }
0x8b: {  	s0 =	sand.u32 $0x1, s1  }
0x8c: {  	s17 =	sshll.u32 s0, $0xA;
	s2 =	sadd.s32 s3, s2  }
0x8d: {  	s2 =	sadd.s32 s2, s17  }
0x8e: {  	[smem:$0x3FC6] =	sst s2  }
0x8f: {  	_ = 	snop  }
0x90: {  	s2 =	sld [smem:$0x3FD0];
	(tm) =	ssettm $0x1  }
0x91: {  	s18 =	sld [smem:$0x3FFB];
	_ =	sdelay $0x3  }
0x92: {  	_ =	strace s18  }
0x93: {  	s3 =	sld [smem:$0x3FFC];
	_ =	sdelay $0x3  }
0x94: {  	_ =	strace s3  }
0x95: {  	s3 =	sld [smem:$0x3FFD];
	_ =	sdelay $0x3  }
0x96: {  	_ =	strace s3  }
0x97: {  	_ =	strace $0x8FFFFFFF  }
0x98: {  	s19 =	sld [smem:$0x3FDB];
	_ =	sdelay $0x1  }
0x99: {  	s4 =	simm.s32 $_scs_section_size  }
0x9a: {  	s5 =	simm.s32 $_size__tile_overlayer_lowered;
	s6 =	simm.s32 $_tile_overlayer_lowered  }
0x9b: {  	s22 =	simm.s32 $0x1BFF;
	s21 =	sshll.u32 s6, $0x1;
	s3 =	sadd.s32 s4, s19  }
0x9c: {  	s7 =	simm.s32 $0x0;
	s20 =	sshll.u32 s5, $0x1;
	s5 =	sadd.s32 s21, s3  }
0x9d: {  	[timem:s7], [sflag:s22] =	dma.local [hbm:s5], s20  }
0x9e: {  	_ =	swait.ge [sflag:s22], s20  }
0x9f: {  	s4 =	ssub.s32 $0x0, s20;
	[sflag:s22] =	ssyncset.done $0x0  }
0xa0: {  	[sflag:s22] =	ssyncadd.s32 s4;
	_ =	sdelay $0x1  }
0xa1: {  	s23 =	simm.s32 $0x1B8B  }
0xa2: {  	_ =	swait.ge [sflag:s23], $0x1  }
0xa3: {  	[sflag:s23] =	ssyncset.done $0x0  }
0xa4: {  	s25 =	simm.s32 $0x1B8E;
	s24 =	sld [smem:$0x3FFE];
	[sflag:s23] =	ssyncadd.s32 $0xFFFFFFFF  }
0xa5: {  	s26 =	simm.s32 $execute0_lowered;
	[smem:$0x3FD2] =	sst s25  }
0xa6: {  	s5 =	sshll.u32 s26, $0x1;
	_ =	strace $0x80000046;
	[dreg:$0x1] =	wrdreg $0xFFFFFFFF  }
0xa7: {  	s28 =	simm.s32 $_size_execute0_lowered;
	s3 =	sadd.s32 s3, s5;
	[dreg:$0x0] =	wrdreg $0x0  }
0xa8: {  	s5 =	sshll.u32 s28, $0x1;
	[dreg:$0x2] =	wrdreg s3  }
0xa9: {  	[dreg:$0x3] =	wrdreg s5  }
0xaa: {  	[dreg:$0x4] =	wrdreg $0xC0  }
0xab: {  	_ =	task [dreg:s7], $0x5FFFF  }
0xac: {  	[dreg:$0x1] =	wrdreg $0xFFFFFFFF  }
0xad: {  	[dreg:$0x0] =	wrdreg $0x60  }
0xae: {  	[dreg:$0x2] =	wrdreg s24  }
0xaf: {  	[dreg:$0x3] =	wrdreg s2  }
0xb0: {  	[dreg:$0x4] =	wrdreg $0x9  }
0xb1: {  	_ =	task.clear_ibuf [dreg:s7], $0x5FFFF;
	_ =	strace $0x90000046  }
0xb2: {  	s29 =	simm.s32 $0x9;
	_ =	strace $0x80000048  }
0xb3: {  	_ =	swait.ge [sflag:s29], $0x1  }
0xb4: {  	[sflag:s29] =	ssyncadd.s32 $0xFFFFFFFF  }
0xb5: {  	_ =	strace $0x90000048  }
0xb6: {  	_ =	sfence  }
0xb7: {  	s30 =	sld [smem:$0x0];
	_ =	sdelay $0x2  }
0xb8: {  	s31 =	sshll.u32 s1, $0xD;
	s1 =	sshrl.u32 s1, $0x2  }
0xb9: {  	s3 =	sand.u32 $0x4000, s31;
	s1 =	sadd.s32 s1, s30  }
0xba: {  	s0 =	sor.u32 s3, s0;
	s1 =	sshll.u32 s1, $0x11  }
0xbb: {  	s0 =	sor.u32 s1, s0  }
0xbc: {  	s0 =	sadd.s32 $0x8F2B, s0  }
0xbd: {  	[sflag:s0] =	ssyncadd.remote.s32 $0x1  }
0xbe: {  	_ =	sfence.sel $0xFFFF  }
0xbf: {  	[dreg:$0x0] =	wrdreg $0xFFFFFFFF;
	(pc) =	sbr.abs _section_cstart, $3  }
0xc0: {  	[dreg:$0x1] =	wrdreg $0xFFFFFFFF  }
0xc1: {  	_ =	task.clear_ibuf [dreg:s7], $0x2FFFF;
	_ =	strace $0x9FFFFFFF  }
0xc2: {  	(tm) =	ssettm $0x7FFFFFFF  }
0xc3: {  	_ =	shalt  }
tec
execute0_lowered:
.L_overlay_start_1:
0x0: {  	(tag) =	ssettag $0x1  }
0x1: {  	s0 =	rddreg [dreg:$0x0];
	s1 =	srdreg.scid  }
0x2: {  	s10 =	stileid.u32;
	s4 =	rddreg [dreg:$0x1]  }
0x3: {  	s2 =	simm.s32 $0x0;
	s12 =	simm.s32 $0x5;
	s13 =	simm.s32 $0x32  }
0x4: {  	s14 =	simm.s32 $0x1C00;
	s16 =	simm.s32 $0x2880;
	s18 =	simm.s32 $0x3500  }
0x5: {  	s20 =	simm.s32 $0x4180;
	s22 =	simm.s32 $0x4E00;
	s24 =	simm.s32 $0x5A80  }
0x6: {  	s29 =	simm.s32 $0x7380;
	s30 =	simm.s32 $0x1;
	s9 =	smul.u32 $0x3200, s10  }
0x7: {  	s1 =	sand.u32 $0x1, s1;
	s3 =	sshll.u32 s10, $0x1;
	s10 =	smul.u32 $0x19000, s10  }
0x8: {  	s31 =	simm.s32 $0x3;
	s19 =	simm.s32 $0x2;
	s25 =	smul.u32 $0x1900, s1  }
0x9: {  	s3 =	sor.u32 s1, s3;
	s6 =	ssub.s32 $0x2, s1;
	s1 =	smul.u32 $0xC800, s1  }
0xa: {  	s21 =	simm.s32 $0x4;
	[smem:$0x7FF] =	sst s2;
	s5 =	smul.u32 $0x380, s3  }
0xb: {  	_ =	strace $0x80000047;
	s7 =	smul.u32 $0xC800, s3;
	s8 =	sshrl.u32 s6, $0x1  }
0xc: {  	s3 =	sadd.s32 $0xF42A00, s0;
	s0 =	sadd.s32 $0x600, s0;
	s6 =	ssub.s32 s6, s8  }
0xd: {  	s8 =	sadd.s32 s25, s9;
	s26 =	sadd.s32 s10, s0;
	s4 =	sadd.s32 s4, s5  }
0xe: {  	s5 =	smax.u32 s6, $0x1;
	s6 =	sadd.s32 s0, s7;
	s28 =	sshll.u32 s8, $0x3  }
0xf: {  	s1 =	sadd.s32 s1, s26;
	s26 =	simm.s32 $0x6700;
	s7 =	sadd.s32 $0x640, s6  }
0x10: {  	s8 =	sadd.s32 $0xBB80, s6;
	s0 =	sadd.s32 s0, s28;
	s9 =	sadd.s32 $0xC1C0, s6  }
0x11: {  	s10 =	sadd.s32 $0xC80, s1;
	s25 =	sadd.s32 $0x12C0, s0;
	s0 =	simm.s32 $0x0  }
.LBB2_1:
0x12: {  	[tilespmem:s2], [sflag:$0x5] =	stream.linear.gather [hbm4b:s4+s2], $0x1C00, $0x38;
	[tilespmem:$0x8000] =	vst v63  }
0x13: {  	_ =	swait.ge [sflag:s12], $0x1C00  }
0x14: {  	[sflag:s12] =	ssyncset.done $0x0  }
0x15: {  	[sflag:s12] =	ssyncadd.s32 $0xFFFFE400  }
0x16: {  	[tilespmem:s14], [sflag:$0x1] =	stream.indirect.gather [hbm4b:s3+s13], $0x40, s2, s13, $0xb8;
	[tilespmem:$0x8000] =	vst v63  }
0x17: {  	s1 =	simm.s32 $0x38  }
0x18: {  	[tilespmem:s16], [sflag:$0x1] =	stream.indirect.gather [hbm4b:s3+s13], $0x40, s1, s13, $0xb8;
	[tilespmem:$0x8000] =	vst v63  }
0x19: {  	s23 =	simm.s32 $0x70  }
0x1a: {  	[tilespmem:s18], [sflag:$0x1] =	stream.indirect.gather [hbm4b:s3+s13], $0x40, s23, s13, $0xb8;
	[tilespmem:$0x8000] =	vst v63  }
0x1b: {  	s28 =	simm.s32 $0xA8  }
0x1c: {  	[tilespmem:s20], [sflag:$0x1] =	stream.indirect.gather [hbm4b:s3+s13], $0x40, s28, s13, $0xb8;
	[tilespmem:$0x8000] =	vst v63  }
0x1d: {  	s11 =	simm.s32 $0xE0  }
0x1e: {  	[tilespmem:s22], [sflag:$0x2] =	stream.indirect.gather [hbm4b:s3+s13], $0x40, s11, s13, $0xb8;
	[tilespmem:$0x8000] =	vst v63  }
0x1f: {  	s15 =	simm.s32 $0x118  }
0x20: {  	[tilespmem:s24], [sflag:$0x2] =	stream.indirect.gather [hbm4b:s3+s13], $0x40, s15, s13, $0xb8;
	[tilespmem:$0x8000] =	vst v63  }
0x21: {  	s17 =	simm.s32 $0x150  }
0x22: {  	[tilespmem:s26], [sflag:$0x2] =	stream.indirect.gather [hbm4b:s3+s13], $0x40, s17, s13, $0xb8;
	[tilespmem:$0x8000] =	vst v63  }
0x23: {  	s23 =	simm.s32 $0x188  }
0x24: {  	[tilespmem:s29], [sflag:$0x2] =	stream.indirect.gather [hbm4b:s3+s13], $0x40, s23, s13, $0xb8;
	[tilespmem:$0x8000] =	vst v63  }
0x25: {  	_ =	swait.ge [sflag:s30], $0xC80  }
0x26: {  	[sflag:s30] =	ssyncset.done $0x0  }
0x27: {  	[sflag:s30] =	ssyncadd.s32 $0xFFFFF380  }
0x28: {  	_ =	swait.ge [sflag:s30], $0xC80  }
0x29: {  	[sflag:s30] =	ssyncset.done $0x0  }
0x2a: {  	[sflag:s30] =	ssyncadd.s32 $0xFFFFF380  }
0x2b: {  	_ =	swait.ge [sflag:s30], $0xC80  }
0x2c: {  	[sflag:s30] =	ssyncset.done $0x0  }
0x2d: {  	[sflag:s30] =	ssyncadd.s32 $0xFFFFF380  }
0x2e: {  	_ =	swait.ge [sflag:s30], $0xC80  }
0x2f: {  	[sflag:s30] =	ssyncset.done $0x0  }
0x30: {  	[sflag:s30] =	ssyncadd.s32 $0xFFFFF380  }
0x31: {  	[hbm4b:s6+s2] =	stream.linear.scatter [tilespmem:s14], [sflag:$0x3], $0x3200, $0x38;
	[tilespmem:$0x8000] =	vst v63  }
0x32: {  	_ =	swait.ge [sflag:s31], $0x3200  }
0x33: {  	[sflag:s31] =	ssyncset.done $0x0  }
0x34: {  	s28 =	simm.s32 $0x1C0;
	[sflag:s31] =	ssyncadd.s32 $0xFFFFCE00  }
0x35: {  	[tilespmem:s14], [sflag:$0x1] =	stream.indirect.gather [hbm4b:s3+s13], $0x40, s28, s13, $0xb8;
	[tilespmem:$0x8000] =	vst v63  }
0x36: {  	s11 =	simm.s32 $0x1F8  }
0x37: {  	[tilespmem:s16], [sflag:$0x1] =	stream.indirect.gather [hbm4b:s3+s13], $0x40, s11, s13, $0xb8;
	[tilespmem:$0x8000] =	vst v63  }
0x38: {  	s15 =	simm.s32 $0x230  }
0x39: {  	[tilespmem:s18], [sflag:$0x1] =	stream.indirect.gather [hbm4b:s3+s13], $0x40, s15, s13, $0xb8;
	[tilespmem:$0x8000] =	vst v63  }
0x3a: {  	s17 =	simm.s32 $0x268  }
0x3b: {  	[tilespmem:s20], [sflag:$0x1] =	stream.indirect.gather [hbm4b:s3+s13], $0x40, s17, s13, $0xb8;
	[tilespmem:$0x8000] =	vst v63  }
0x3c: {  	_ =	swait.ge [sflag:s19], $0xC80  }
0x3d: {  	[sflag:s19] =	ssyncset.done $0x0  }
0x3e: {  	[sflag:s19] =	ssyncadd.s32 $0xFFFFF380  }
0x3f: {  	_ =	swait.ge [sflag:s19], $0xC80  }
0x40: {  	[sflag:s19] =	ssyncset.done $0x0  }
0x41: {  	[sflag:s19] =	ssyncadd.s32 $0xFFFFF380  }
0x42: {  	_ =	swait.ge [sflag:s19], $0xC80  }
0x43: {  	[sflag:s19] =	ssyncset.done $0x0  }
0x44: {  	[sflag:s19] =	ssyncadd.s32 $0xFFFFF380  }
0x45: {  	_ =	swait.ge [sflag:s19], $0xC80  }
0x46: {  	[sflag:s19] =	ssyncset.done $0x0  }
0x47: {  	[sflag:s19] =	ssyncadd.s32 $0xFFFFF380  }
0x48: {  	[hbm4b:s7+s2] =	stream.linear.scatter [tilespmem:s22], [sflag:$0x4], $0x3200, $0x38;
	[tilespmem:$0x8000] =	vst v63  }
0x49: {  	_ =	swait.ge [sflag:s21], $0x3200  }
0x4a: {  	[sflag:s21] =	ssyncset.done $0x0  }
0x4b: {  	s11 =	simm.s32 $0x2A0;
	[sflag:s21] =	ssyncadd.s32 $0xFFFFCE00  }
0x4c: {  	[tilespmem:s22], [sflag:$0x2] =	stream.indirect.gather [hbm4b:s3+s13], $0x40, s11, s13, $0xb8;
	[tilespmem:$0x8000] =	vst v63  }
0x4d: {  	s23 =	simm.s32 $0x2D8  }
0x4e: {  	[tilespmem:s24], [sflag:$0x2] =	stream.indirect.gather [hbm4b:s3+s13], $0x40, s23, s13, $0xb8;
	[tilespmem:$0x8000] =	vst v63  }
0x4f: {  	s28 =	simm.s32 $0x310  }
0x50: {  	[tilespmem:s26], [sflag:$0x2] =	stream.indirect.gather [hbm4b:s3+s13], $0x40, s28, s13, $0xb8;
	[tilespmem:$0x8000] =	vst v63  }
0x51: {  	s1 =	simm.s32 $0x348  }
0x52: {  	[tilespmem:s29], [sflag:$0x2] =	stream.indirect.gather [hbm4b:s3+s13], $0x40, s1, s13, $0xb8;
	[tilespmem:$0x8000] =	vst v63  }
0x53: {  	_ =	swait.ge [sflag:s30], $0xC80  }
0x54: {  	[sflag:s30] =	ssyncset.done $0x0  }
0x55: {  	[sflag:s30] =	ssyncadd.s32 $0xFFFFF380  }
0x56: {  	_ =	swait.ge [sflag:s30], $0xC80  }
0x57: {  	[sflag:s30] =	ssyncset.done $0x0  }
0x58: {  	[sflag:s30] =	ssyncadd.s32 $0xFFFFF380  }
0x59: {  	_ =	swait.ge [sflag:s30], $0xC80  }
0x5a: {  	[sflag:s30] =	ssyncset.done $0x0  }
0x5b: {  	[sflag:s30] =	ssyncadd.s32 $0xFFFFF380  }
0x5c: {  	_ =	swait.ge [sflag:s30], $0xC80  }
0x5d: {  	[sflag:s30] =	ssyncset.done $0x0  }
0x5e: {  	[sflag:s30] =	ssyncadd.s32 $0xFFFFF380  }
0x5f: {  	[hbm4b:s10+s2] =	stream.linear.scatter [tilespmem:s14], [sflag:$0x3], $0x3200, $0x38;
	[tilespmem:$0x8000] =	vst v63  }
0x60: {  	_ =	swait.ge [sflag:s31], $0x3200  }
0x61: {  	[sflag:s31] =	ssyncset.done $0x0  }
0x62: {  	s15 =	simm.s32 $0x380;
	[sflag:s31] =	ssyncadd.s32 $0xFFFFCE00  }
0x63: {  	[tilespmem:s14], [sflag:$0x1] =	stream.indirect.gather [hbm4b:s3+s13], $0x40, s15, s13, $0xb8;
	[tilespmem:$0x8000] =	vst v63  }
0x64: {  	s17 =	simm.s32 $0x3B8  }
0x65: {  	[tilespmem:s16], [sflag:$0x1] =	stream.indirect.gather [hbm4b:s3+s13], $0x40, s17, s13, $0xb8;
	[tilespmem:$0x8000] =	vst v63  }
0x66: {  	s23 =	simm.s32 $0x3F0  }
0x67: {  	[tilespmem:s18], [sflag:$0x1] =	stream.indirect.gather [hbm4b:s3+s13], $0x40, s23, s13, $0xb8;
	[tilespmem:$0x8000] =	vst v63  }
0x68: {  	s28 =	simm.s32 $0x428  }
0x69: {  	[tilespmem:s20], [sflag:$0x1] =	stream.indirect.gather [hbm4b:s3+s13], $0x40, s28, s13, $0xb8;
	[tilespmem:$0x8000] =	vst v63  }
0x6a: {  	_ =	swait.ge [sflag:s19], $0xC80  }
0x6b: {  	[sflag:s19] =	ssyncset.done $0x0  }
0x6c: {  	[sflag:s19] =	ssyncadd.s32 $0xFFFFF380  }
0x6d: {  	_ =	swait.ge [sflag:s19], $0xC80  }
0x6e: {  	[sflag:s19] =	ssyncset.done $0x0  }
0x6f: {  	[sflag:s19] =	ssyncadd.s32 $0xFFFFF380  }
0x70: {  	_ =	swait.ge [sflag:s19], $0xC80  }
0x71: {  	[sflag:s19] =	ssyncset.done $0x0  }
0x72: {  	[sflag:s19] =	ssyncadd.s32 $0xFFFFF380  }
0x73: {  	_ =	swait.ge [sflag:s19], $0xC80  }
0x74: {  	s11 =	smov.u32 s25;
	s15 =	simm.s32 $0x700;
	[sflag:s19] =	ssyncset.done $0x0  }
0x75: {  	s17 =	sadd.s32 $0xC80, s10;
	s23 =	sadd.s32 $0xC80, s25;
	[sflag:s19] =	ssyncadd.s32 $0xFFFFF380  }
.LBB2_2:
0x76: {  	[hbm4b:s11+s2] =	stream.linear.scatter [tilespmem:s22], [sflag:$0x4], $0x3200, $0x38;
	[tilespmem:$0x8000] =	vst v63  }
0x77: {  	s28 =	smov.u32 s15;
	s11 =	smov.u32 s23  }
0x78: {  	p0 =	sne.s32 s15, $0x5B00;
	s15 =	sadd.s32 $0x700, s15;
	_ =	swait.ge [sflag:s21], $0x3200  }
0x79: {  	s28 =	sshra.s32 s28, $0x2;
	[sflag:s21] =	ssyncset.done $0x0  }
0x7a: {  	s1 =	sadd.s32 $0x2A0, s28;
	[sflag:s21] =	ssyncadd.s32 $0xFFFFCE00  }
0x7b: {  	[tilespmem:s22], [sflag:$0x2] =	stream.indirect.gather [hbm4b:s3+s13], $0x40, s1, s13, $0xb8;
	[tilespmem:$0x8000] =	vst v63  }
0x7c: {  	s1 =	sadd.s32 $0x2D8, s28  }
0x7d: {  	[tilespmem:s24], [sflag:$0x2] =	stream.indirect.gather [hbm4b:s3+s13], $0x40, s1, s13, $0xb8;
	[tilespmem:$0x8000] =	vst v63  }
0x7e: {  	s1 =	sadd.s32 $0x310, s28  }
0x7f: {  	[tilespmem:s26], [sflag:$0x2] =	stream.indirect.gather [hbm4b:s3+s13], $0x40, s1, s13, $0xb8;
	[tilespmem:$0x8000] =	vst v63  }
0x80: {  	s1 =	sadd.s32 $0x348, s28  }
0x81: {  	[tilespmem:s29], [sflag:$0x2] =	stream.indirect.gather [hbm4b:s3+s13], $0x40, s1, s13, $0xb8;
	[tilespmem:$0x8000] =	vst v63  }
0x82: {  	_ =	swait.ge [sflag:s30], $0xC80  }
0x83: {  	[sflag:s30] =	ssyncset.done $0x0  }
0x84: {  	[sflag:s30] =	ssyncadd.s32 $0xFFFFF380  }
0x85: {  	_ =	swait.ge [sflag:s30], $0xC80  }
0x86: {  	[sflag:s30] =	ssyncset.done $0x0  }
0x87: {  	[sflag:s30] =	ssyncadd.s32 $0xFFFFF380  }
0x88: {  	_ =	swait.ge [sflag:s30], $0xC80  }
0x89: {  	[sflag:s30] =	ssyncset.done $0x0  }
0x8a: {  	[sflag:s30] =	ssyncadd.s32 $0xFFFFF380  }
0x8b: {  	_ =	swait.ge [sflag:s30], $0xC80  }
0x8c: {  	[sflag:s30] =	ssyncset.done $0x0  }
0x8d: {  	[sflag:s30] =	ssyncadd.s32 $0xFFFFF380  }
0x8e: {  	[hbm4b:s17+s2] =	stream.linear.scatter [tilespmem:s14], [sflag:$0x3], $0x3200, $0x38;
	[tilespmem:$0x8000] =	vst v63  }
0x8f: {  	_ =	swait.ge [sflag:s31], $0x3200  }
0x90: {  	[sflag:s31] =	ssyncset.done $0x0  }
0x91: {  	s1 =	sadd.s32 $0x380, s28;
	[sflag:s31] =	ssyncadd.s32 $0xFFFFCE00  }
0x92: {  	[tilespmem:s14], [sflag:$0x1] =	stream.indirect.gather [hbm4b:s3+s13], $0x40, s1, s13, $0xb8;
	[tilespmem:$0x8000] =	vst v63  }
0x93: {  	s1 =	sadd.s32 $0x3B8, s28  }
0x94: {  	[tilespmem:s16], [sflag:$0x1] =	stream.indirect.gather [hbm4b:s3+s13], $0x40, s1, s13, $0xb8;
	[tilespmem:$0x8000] =	vst v63  }
0x95: {  	s1 =	sadd.s32 $0x3F0, s28  }
0x96: {  	[tilespmem:s18], [sflag:$0x1] =	stream.indirect.gather [hbm4b:s3+s13], $0x40, s1, s13, $0xb8;
	[tilespmem:$0x8000] =	vst v63  }
0x97: {  	s1 =	sadd.s32 $0x428, s28  }
0x98: {  	[tilespmem:s20], [sflag:$0x1] =	stream.indirect.gather [hbm4b:s3+s13], $0x40, s1, s13, $0xb8;
	[tilespmem:$0x8000] =	vst v63  }
0x99: {  	_ =	swait.ge [sflag:s19], $0xC80  }
0x9a: {  	[sflag:s19] =	ssyncset.done $0x0  }
0x9b: {  	[sflag:s19] =	ssyncadd.s32 $0xFFFFF380  }
0x9c: {  	_ =	swait.ge [sflag:s19], $0xC80  }
0x9d: {  	[sflag:s19] =	ssyncset.done $0x0  }
0x9e: {  	[sflag:s19] =	ssyncadd.s32 $0xFFFFF380  }
0x9f: {  	_ =	swait.ge [sflag:s19], $0xC80  }
.Ltmp0:
0xa0: {  	[sflag:s19] =	ssyncset.done $0x0;
	(pc) =	sbr.rel @p0 .LBB2_2-.Ltmp0, $4  }
0xa1: {  	[sflag:s19] =	ssyncadd.s32 $0xFFFFF380  }
0xa2: {  	_ =	swait.ge [sflag:s19], $0xC80  }
0xa3: {  	[sflag:s19] =	ssyncset.done $0x0  }
0xa4: {  	s23 =	sadd.s32 $0xC80, s23;
	s17 =	sadd.s32 $0xC80, s17;
	[sflag:s19] =	ssyncadd.s32 $0xFFFFF380  }
0xa5: {  	[hbm4b:s11+s2] =	stream.linear.scatter [tilespmem:s22], [sflag:$0x4], $0x3200, $0x38;
	[tilespmem:$0x8000] =	vst v63  }
0xa6: {  	_ =	swait.ge [sflag:s21], $0x3200  }
0xa7: {  	[sflag:s21] =	ssyncset.done $0x0  }
0xa8: {  	s1 =	simm.s32 $0x1B20;
	[sflag:s21] =	ssyncadd.s32 $0xFFFFCE00  }
0xa9: {  	[tilespmem:s22], [sflag:$0x2] =	stream.indirect.gather [hbm4b:s3+s13], $0x40, s1, s13, $0xb8;
	[tilespmem:$0x8000] =	vst v63  }
0xaa: {  	s17 =	simm.s32 $0x1B58  }
0xab: {  	[tilespmem:s24], [sflag:$0x2] =	stream.indirect.gather [hbm4b:s3+s13], $0x40, s17, s13, $0xb8;
	[tilespmem:$0x8000] =	vst v63  }
0xac: {  	s23 =	simm.s32 $0x1B90  }
0xad: {  	[tilespmem:s26], [sflag:$0x2] =	stream.indirect.gather [hbm4b:s3+s13], $0x40, s23, s13, $0xb8;
	[tilespmem:$0x8000] =	vst v63  }
0xae: {  	s28 =	simm.s32 $0x1BC8  }
0xaf: {  	[tilespmem:s29], [sflag:$0x2] =	stream.indirect.gather [hbm4b:s3+s13], $0x40, s28, s13, $0xb8;
	[tilespmem:$0x8000] =	vst v63  }
0xb0: {  	_ =	swait.ge [sflag:s30], $0xC80  }
0xb1: {  	[sflag:s30] =	ssyncset.done $0x0  }
0xb2: {  	[sflag:s30] =	ssyncadd.s32 $0xFFFFF380  }
0xb3: {  	_ =	swait.ge [sflag:s30], $0xC80  }
0xb4: {  	[sflag:s30] =	ssyncset.done $0x0  }
0xb5: {  	[sflag:s30] =	ssyncadd.s32 $0xFFFFF380  }
0xb6: {  	_ =	swait.ge [sflag:s30], $0xC80  }
0xb7: {  	[sflag:s30] =	ssyncset.done $0x0  }
0xb8: {  	[sflag:s30] =	ssyncadd.s32 $0xFFFFF380  }
0xb9: {  	_ =	swait.ge [sflag:s30], $0xC80  }
0xba: {  	[sflag:s30] =	ssyncset.done $0x0  }
0xbb: {  	[sflag:s30] =	ssyncadd.s32 $0xFFFFF380  }
0xbc: {  	[hbm4b:s8+s2] =	stream.linear.scatter [tilespmem:s14], [sflag:$0x3], $0x3200, $0x38;
	[tilespmem:$0x8000] =	vst v63  }
0xbd: {  	_ =	swait.ge [sflag:s19], $0xC80  }
0xbe: {  	[sflag:s19] =	ssyncset.done $0x0  }
0xbf: {  	[sflag:s19] =	ssyncadd.s32 $0xFFFFF380  }
0xc0: {  	_ =	swait.ge [sflag:s19], $0xC80  }
0xc1: {  	[sflag:s19] =	ssyncset.done $0x0  }
0xc2: {  	[sflag:s19] =	ssyncadd.s32 $0xFFFFF380  }
0xc3: {  	_ =	swait.ge [sflag:s19], $0xC80  }
0xc4: {  	[sflag:s19] =	ssyncset.done $0x0  }
0xc5: {  	[sflag:s19] =	ssyncadd.s32 $0xFFFFF380  }
0xc6: {  	_ =	swait.ge [sflag:s19], $0xC80  }
0xc7: {  	[sflag:s19] =	ssyncset.done $0x0  }
0xc8: {  	s0 =	sadd.s32 $0x1, s0;
	[sflag:s19] =	ssyncadd.s32 $0xFFFFF380  }
0xc9: {  	[hbm4b:s9+s2] =	stream.linear.scatter [tilespmem:s22], [sflag:$0x4], $0x3200, $0x38;
	[tilespmem:$0x8000] =	vst v63  }
0xca: {  	p0 =	sne.s32 s0, s5;
	_ =	swait.ge [sflag:s31], $0x3200  }
.Ltmp1:
0xcb: {  	[sflag:s31] =	ssyncset.done $0x0;
	(pc) =	sbr.rel @p0 .LBB2_1-.Ltmp1, $4  }
0xcc: {  	[sflag:s31] =	ssyncadd.s32 $0xFFFFCE00  }
0xcd: {  	_ =	swait.ge [sflag:s21], $0x3200  }
0xce: {  	[sflag:s21] =	ssyncset.done $0x0  }
0xcf: {  	[sflag:s21] =	ssyncadd.s32 $0xFFFFCE00  }
0xd0: {  	_ =	sfence.sel $0x180000  }
0xd1: {  	[bflag:$0x0] =	sbarrier.arrive $0xFFFF  }
0xd2: {  	_ =	strace $0x90000047  }
0xd3: {  	s0 =	stileid.u32;
	[bflag:$0x2] =	sbarrier.arrive $0xFFFF  }
0xd4: {  	p0 =	sne.s32 s0, $0x0;
	s0 =	rddreg [dreg:$0x2]  }
0xd5: {  	s0 =	sadd.s32 @!p0 $0x100000, s0  }
0xd6: {  	[sflag:s0] =	ssyncadd.tile.s32 @!p0 $0x1;
	_ =	shalt  }
.Lfunc_end2:
_tile_overlayer_lowered:
.L_overlay_start_2:
0xd7: {  	(tag) =	ssettag $0x2  }
0xd8: {  	s0 =	rddreg [dreg:$0x0];
	s2 =	stileid.u32  }
0xd9: {  	s1 =	rddreg [dreg:$0x1];
	p0 =	sne.s32 s2, $0x0  }
0xda: {  	s3 =	rddreg [dreg:$0x2];
	[bflag:$0x3] =	sbarrier.arrive $0xFFFF;
	s2 =	simm.s32 @!p0 $0x1C05  }
0xdb: {  	[timem:s3], [sflag:s2] =	dma.local @!p0 [hbm:s0], s1  }
0xdc: {  	s0 =	simm.s32 @!p0 $0x5  }
0xdd: {  	_ =	swait.ge @!p0 [sflag:s0], s1  }
0xde: {  	s1 =	ssub.s32 @!p0 $0x0, s1;
	[sflag:s0] =	ssyncset.done @!p0 $0x0  }
0xdf: {  	[sflag:s0] =	ssyncadd.s32 @!p0 s1  }
0xe0: {  	[bflag:$0x3] =	sbarrier.arrive $0xFFFF  }
0xe1: {  	_ =	shalt  }

</sc_bundles>
